<compile_context>
chip_gen: v7x
topology: tpu7x:2x2x1
jax: 0.10.2.dev20260603
libtpu: 0.0.44.dev20260713+nightly
codegen_flags: <defaults>
</compile_context>

<pallas_src>
import functools

import jax
import jax.numpy as jnp
from jax import lax
from jax.experimental import pallas as pl
from jax.experimental.pallas import tpu as pltpu
from jax.experimental.pallas import tpu_sc as plsc

VOCAB = 10000
DIM = 128
N_OUT = 128

_ROW_BLOCK = 5000


def _table_body(emb_ref, w_ref, b_ref, out_ref):
    acc = lax.dot_general(
        emb_ref[...], w_ref[...],
        dimension_numbers=(((1,), (1,)), ((), ())),
        preferred_element_type=jnp.float32,
    )
    out_ref[...] = acc + b_ref[...]


def _build_table(emb, W, b):
    grid = VOCAB // _ROW_BLOCK
    return pl.pallas_call(
        _table_body,
        grid=(grid,),
        in_specs=[
            pl.BlockSpec((_ROW_BLOCK, DIM), lambda i: (i, 0)),
            pl.BlockSpec((N_OUT, DIM), lambda i: (0, 0)),
            pl.BlockSpec((1, N_OUT), lambda i: (0, 0)),
        ],
        out_specs=pl.BlockSpec((_ROW_BLOCK, N_OUT), lambda i: (i, 0)),
        out_shape=jax.ShapeDtypeStruct((VOCAB, N_OUT), jnp.float32),
    )(emb, W, b.reshape(1, N_OUT))


@functools.cache
def _make_gather(n_idx):
    NC, NS = 2, 16
    NW = NC * NS
    b_per_w = n_idx // NW
    chunk = 160
    nbuf = 2
    n_chunks = b_per_w // chunk
    mesh = plsc.VectorSubcoreMesh(core_axis_name="c", subcore_axis_name="s")

    stage = VOCAB // NS // 8 * 8

    @functools.partial(
        pl.kernel,
        mesh=mesh,
        out_type=jax.ShapeDtypeStruct((n_idx, N_OUT), jnp.float32),
        scratch_types=[
            pltpu.VMEM_SHARED((VOCAB, N_OUT), jnp.float32),
            pltpu.VMEM((b_per_w,), jnp.int32),
            *[pltpu.VMEM((chunk, N_OUT), jnp.float32) for _ in range(nbuf)],
            *[pltpu.SemaphoreType.DMA for _ in range(2 * nbuf + 1)],
        ],
    )
    def gather_k(table_hbm, idx_hbm, out_hbm, table_spm, idx_v, *bufs_and_sems):
        rows = bufs_and_sems[:nbuf]
        gsem = bufs_and_sems[nbuf:2 * nbuf]
        wsem = bufs_and_sems[2 * nbuf:3 * nbuf]
        ssem = bufs_and_sems[3 * nbuf]
        sid = lax.axis_index("s")
        wid = sid * NC + lax.axis_index("c")
        base = pl.multiple_of(wid * b_per_w, 8)

        soff = pl.multiple_of(sid * stage, 8)
        rem = pl.multiple_of(NS * stage, 8)
        stage_cp = pltpu.make_async_copy(
            table_hbm.at[pl.ds(soff, stage)],
            table_spm.at[pl.ds(soff, stage)],
            ssem,
        )
        rem_cp = pltpu.make_async_copy(
            table_hbm.at[pl.ds(rem, VOCAB - NS * stage)],
            table_spm.at[pl.ds(rem, VOCAB - NS * stage)],
            ssem,
        )
        stage_cp.start()

        @pl.when(sid == NS - 1)
        def _():
            rem_cp.start()

        pltpu.sync_copy(idx_hbm.at[pl.ds(base, b_per_w)], idx_v)

        def gather_chunk(c, b, src=None):
            off = pl.multiple_of(c * chunk, 8)
            src = table_spm if src is None else src
            return pltpu.make_async_copy(
                src.at[idx_v.at[pl.ds(off, chunk)]], rows[b], gsem[b]
            )

        def write_chunk(c, b):
            off = pl.multiple_of(base + c * chunk, 8)
            return pltpu.make_async_copy(
                rows[b], out_hbm.at[pl.ds(off, chunk)], wsem[b]
            )

        for b in range(nbuf):
            gather_chunk(b, b, src=table_hbm).start()

        stage_cp.wait()

        @pl.when(sid == NS - 1)
        def _():
            rem_cp.wait()

        plsc.subcore_barrier()

        def step(g, carry):
            for b in range(nbuf):
                c = g * nbuf + b
                gather_chunk(c, b).wait()
                write_chunk(c, b).start()

                @pl.when(c + nbuf < n_chunks)
                def _():
                    write_chunk(c, b).wait()
                    gather_chunk(c + nbuf, b).start()

            return carry

        lax.fori_loop(0, n_chunks // nbuf, step, 0)
        for c in range(n_chunks - nbuf, n_chunks):
            write_chunk(c, c % nbuf).wait()

    return gather_k


def kernel(x, emb, W, b):
    n_batch, seq = x.shape
    table = _build_table(emb, W, b)
    idx = x.T.reshape(-1).astype(jnp.int32)
    out = _make_gather(idx.shape[0])(table, idx)
    return out.reshape(seq, n_batch, N_OUT).transpose(1, 0, 2)

# --- scband reference (transcript-rebuilt; emitter-appended) ---
"""Pipeline reference for scband-classifier-17789754540227 (READ-ONLY COPY).

The authoritative reference and input builder live on the scoring server;
editing this copy changes nothing except your own understanding.
"""

import jax, jax.numpy as jnp
import numpy as np

VOCAB = 10000
DIM = 128
N_OUT = 128

def setup_inputs(seed: int = 0) -> dict:
    key = jax.random.key(seed)
    k1, k2, k3, k4 = jax.random.split(key, 4)
    x = jax.random.randint(k1, (4096, 50), 0, VOCAB, dtype=jnp.int64 if jax.config.jax_enable_x64 else jnp.int32)
    emb = jax.random.normal(k2, (VOCAB, DIM), dtype=jnp.float32)
    W = jax.random.normal(k3, (N_OUT, DIM), dtype=jnp.float32) * (1.0 / np.sqrt(DIM))
    b = jax.random.normal(k4, (N_OUT,), dtype=jnp.float32) * 0.01
    return {"x": x, "emb": emb, "W": W, "b": b}

def reference(x, emb, W, b):
    # torch.nn.Embedding: gather rows from table
    h = jnp.take(emb, x, axis=0)            # [B, L, DIM]
    # torch.nn.Linear: h @ W.T + b
    out = jnp.einsum('bld,nd->bln', h, W) + b
    return out

if __name__ == "__main__":
    import jax
    _d = setup_inputs()
    print(jax.jit(kernel)(*tuple(_d.values())))

</pallas_src>

<mosaic_0001>
#map = affine_map<(d0, d1) -> (0, 0)>
#map1 = affine_map<(d0, d1) -> (0)>
module attributes {stable_mosaic.version = 14 : i64} {
  func.func @gather_k(%arg0: i32, %arg1: i32, %arg2: memref<10000x128xf32, #tpu.memory_space<hbm>>, %arg3: memref<204800xi32, #tpu.memory_space<hbm>>, %arg4: memref<204800x128xf32, #tpu.memory_space<hbm>>, %arg5: memref<10000x128xf32, #tpu.memory_space<vmem_shared>>, %arg6: memref<6400xi32, #tpu.memory_space<vmem>>, %arg7: memref<160x128xf32, #tpu.memory_space<vmem>>, %arg8: memref<160x128xf32, #tpu.memory_space<vmem>>, %arg9: memref<!tpu.dma_semaphore, #tpu.memory_space<semaphore_mem>>, %arg10: memref<!tpu.dma_semaphore, #tpu.memory_space<semaphore_mem>>, %arg11: memref<!tpu.dma_semaphore, #tpu.memory_space<semaphore_mem>>, %arg12: memref<!tpu.dma_semaphore, #tpu.memory_space<semaphore_mem>>, %arg13: memref<!tpu.dma_semaphore, #tpu.memory_space<semaphore_mem>>) attributes {dimension_semantics = [#tpu.dimension_semantics<core_parallel>, #tpu.dimension_semantics<subcore_parallel>], iteration_bounds = array<i64: 2, 16>, scalar_prefetch = 0 : i64, scratch_operands = 9 : i64, tpu.core_type = #tpu.core_type<sc_vector_subcore>, window_params = [{transform_indices = #map}, {transform_indices = #map1}, {transform_indices = #map}]} {
    %mul3A = arith.constant 2 : i32
    %mul3A_0 = arith.muli %arg1, %mul3A : i32
    %add3A = arith.addi %mul3A_0, %arg0 : i32
    %mul3A_1 = arith.constant 6400 : i32
    %mul3A_2 = arith.muli %add3A, %mul3A_1 : i32
    %multiple_of3A = tpu.assume_multiple %mul3A_2, 8 : i32
    %mul3A_3 = arith.constant 624 : i32
    %mul3A_4 = arith.muli %arg1, %mul3A_3 : i32
    %multiple_of3A_5 = tpu.assume_multiple %mul3A_4, 8 : i32
    %multiple_of3A_6 = arith.constant 9984 : i32
    %multiple_of3A_7 = tpu.assume_multiple %multiple_of3A_6, 8 : i32
    %dma_start3A = arith.constant 0 : i32
    %dma_start3A_8 = tpu.memref_slice %arg5[%multiple_of3A_5, %dma_start3A] : memref<10000x128xf32, #tpu.memory_space<vmem_shared>> -> memref<624x128xf32, #tpu.memory_space<vmem_shared>>
    %dma_start3A_9 = arith.constant 0 : i32
    %dma_start3A_10 = tpu.memref_slice %arg2[%multiple_of3A_5, %dma_start3A_9] : memref<10000x128xf32, #tpu.memory_space<hbm>> -> memref<624x128xf32, #tpu.memory_space<hbm>>
    tpu.enqueue_dma source(%dma_start3A_10 : memref<624x128xf32, #tpu.memory_space<hbm>>) target(%dma_start3A_8 : memref<624x128xf32, #tpu.memory_space<vmem_shared>>) target_semaphore(%arg13 : memref<!tpu.dma_semaphore, #tpu.memory_space<semaphore_mem>>)
    %eq3A = arith.constant 15 : i32
    %eq3A_11 = arith.cmpi eq, %arg1, %eq3A : i32
    %convert_element_type3A = arith.extui %eq3A_11 : i1 to i32
    %cond3A = arith.constant 0 : i32
    %cond3A_12 = arith.cmpi ne, %convert_element_type3A, %cond3A : i32
    scf.if %cond3A_12 {
      %dma_start3A_52 = arith.constant 0 : i32
      %dma_start3A_53 = tpu.memref_slice %arg5[%multiple_of3A_7, %dma_start3A_52] : memref<10000x128xf32, #tpu.memory_space<vmem_shared>> -> memref<16x128xf32, #tpu.memory_space<vmem_shared>>
      %dma_start3A_54 = arith.constant 0 : i32
      %dma_start3A_55 = tpu.memref_slice %arg2[%multiple_of3A_7, %dma_start3A_54] : memref<10000x128xf32, #tpu.memory_space<hbm>> -> memref<16x128xf32, #tpu.memory_space<hbm>>
      tpu.enqueue_dma source(%dma_start3A_55 : memref<16x128xf32, #tpu.memory_space<hbm>>) target(%dma_start3A_53 : memref<16x128xf32, #tpu.memory_space<vmem_shared>>) target_semaphore(%arg13 : memref<!tpu.dma_semaphore, #tpu.memory_space<semaphore_mem>>)
    } else {
    }
    "tpu.region"() ({
      %run_scoped3A = tpu.sem_alloc : memref<!tpu.dma_semaphore, #tpu.memory_space<semaphore_mem>>
      %dma_start3A_52 = tpu.memref_slice %arg3[%multiple_of3A] : memref<204800xi32, #tpu.memory_space<hbm>> -> memref<6400xi32, #tpu.memory_space<hbm>>
      %dma_start3A_53 = tpu.memref_slice %arg3[%multiple_of3A] : memref<204800xi32, #tpu.memory_space<hbm>> -> memref<6400xi32, #tpu.memory_space<hbm>>
      tpu.enqueue_dma source(%dma_start3A_53 : memref<6400xi32, #tpu.memory_space<hbm>>) target(%arg6 : memref<6400xi32, #tpu.memory_space<vmem>>) target_semaphore(%run_scoped3A : memref<!tpu.dma_semaphore, #tpu.memory_space<semaphore_mem>>)
      %dma_wait3A_54 = tpu.memref_slice %arg3[%multiple_of3A] : memref<204800xi32, #tpu.memory_space<hbm>> -> memref<6400xi32, #tpu.memory_space<hbm>>
      %dma_wait3A_55 = tpu.memref_slice %arg3[%multiple_of3A] : memref<204800xi32, #tpu.memory_space<hbm>> -> memref<6400xi32, #tpu.memory_space<hbm>>
      tpu.wait_dma2 semaphore(%run_scoped3A : memref<!tpu.dma_semaphore, #tpu.memory_space<semaphore_mem>>) src(%dma_wait3A_55 : memref<6400xi32, #tpu.memory_space<hbm>>) dst(%arg6 : memref<6400xi32, #tpu.memory_space<vmem>>)
      tpu.yield
    }) : () -> ()
    %multiple_of3A_13 = arith.constant 0 : i32
    %multiple_of3A_14 = tpu.assume_multiple %multiple_of3A_13, 8 : i32
    %dma_start3A_15 = tpu.memref_slice %arg6[%multiple_of3A_14] : memref<6400xi32, #tpu.memory_space<vmem>> -> memref<160xi32, #tpu.memory_space<vmem>>
    %dma_start3A_16 = arith.constant 0 : i32
    %dma_start3A_17 = arith.constant 0 : i32
    %dma_start3A_18 = tpu.memref_slice %arg2[%dma_start3A_16, %dma_start3A_17] : memref<10000x128xf32, #tpu.memory_space<hbm>> -> memref<10000x128xf32, #tpu.memory_space<hbm>>
    tpu.enqueue_indirect_dma source(%dma_start3A_18 : memref<10000x128xf32, #tpu.memory_space<hbm>>) target(%arg7 : memref<160x128xf32, #tpu.memory_space<vmem>>) offsets(%dma_start3A_15 : memref<160xi32, #tpu.memory_space<vmem>>) semaphore(%arg9 : memref<!tpu.dma_semaphore, #tpu.memory_space<semaphore_mem>>)
    %multiple_of3A_19 = arith.constant 160 : i32
    %multiple_of3A_20 = tpu.assume_multiple %multiple_of3A_19, 8 : i32
    %dma_start3A_21 = tpu.memref_slice %arg6[%multiple_of3A_20] : memref<6400xi32, #tpu.memory_space<vmem>> -> memref<160xi32, #tpu.memory_space<vmem>>
    %dma_start3A_22 = arith.constant 0 : i32
    %dma_start3A_23 = arith.constant 0 : i32
    %dma_start3A_24 = tpu.memref_slice %arg2[%dma_start3A_22, %dma_start3A_23] : memref<10000x128xf32, #tpu.memory_space<hbm>> -> memref<10000x128xf32, #tpu.memory_space<hbm>>
    tpu.enqueue_indirect_dma source(%dma_start3A_24 : memref<10000x128xf32, #tpu.memory_space<hbm>>) target(%arg8 : memref<160x128xf32, #tpu.memory_space<vmem>>) offsets(%dma_start3A_21 : memref<160xi32, #tpu.memory_space<vmem>>) semaphore(%arg10 : memref<!tpu.dma_semaphore, #tpu.memory_space<semaphore_mem>>)
    %dma_wait3A = arith.constant 0 : i32
    %dma_wait3A_25 = tpu.memref_slice %arg5[%multiple_of3A_5, %dma_wait3A] : memref<10000x128xf32, #tpu.memory_space<vmem_shared>> -> memref<624x128xf32, #tpu.memory_space<vmem_shared>>
    %dma_wait3A_26 = arith.constant 0 : i32
    %dma_wait3A_27 = tpu.memref_slice %arg2[%multiple_of3A_5, %dma_wait3A_26] : memref<10000x128xf32, #tpu.memory_space<hbm>> -> memref<624x128xf32, #tpu.memory_space<hbm>>
    tpu.wait_dma2 semaphore(%arg13 : memref<!tpu.dma_semaphore, #tpu.memory_space<semaphore_mem>>) src(%dma_wait3A_27 : memref<624x128xf32, #tpu.memory_space<hbm>>) dst(%dma_wait3A_25 : memref<624x128xf32, #tpu.memory_space<vmem_shared>>)
    %eq3A_28 = arith.constant 15 : i32
    %eq3A_29 = arith.cmpi eq, %arg1, %eq3A_28 : i32
    %convert_element_type3A_30 = arith.extui %eq3A_29 : i1 to i32
    %cond3A_31 = arith.constant 0 : i32
    %cond3A_32 = arith.cmpi ne, %convert_element_type3A_30, %cond3A_31 : i32
    scf.if %cond3A_32 {
      %dma_wait3A_52 = arith.constant 0 : i32
      %dma_wait3A_53 = tpu.memref_slice %arg5[%multiple_of3A_7, %dma_wait3A_52] : memref<10000x128xf32, #tpu.memory_space<vmem_shared>> -> memref<16x128xf32, #tpu.memory_space<vmem_shared>>
      %dma_wait3A_54 = arith.constant 0 : i32
      %dma_wait3A_55 = tpu.memref_slice %arg2[%multiple_of3A_7, %dma_wait3A_54] : memref<10000x128xf32, #tpu.memory_space<hbm>> -> memref<16x128xf32, #tpu.memory_space<hbm>>
      tpu.wait_dma2 semaphore(%arg13 : memref<!tpu.dma_semaphore, #tpu.memory_space<semaphore_mem>>) src(%dma_wait3A_55 : memref<16x128xf32, #tpu.memory_space<hbm>>) dst(%dma_wait3A_53 : memref<16x128xf32, #tpu.memory_space<vmem_shared>>)
    } else {
    }
    %barrier3A = arith.constant 0 : index
    tpu.barrier barrier_id(%barrier3A)
    %scan3A = arith.constant 0 : i32
    %scan3A_33 = arith.constant 0 : i32
    %scan3A_34 = arith.constant 20 : i32
    %scan3A_35 = arith.addi %scan3A_33, %scan3A_34 : i32
    %scan3A_36 = arith.constant 1 : i32
    scf.for %scan3A_52 = %scan3A_33 to %scan3A_35 step %scan3A_36  : i32 {
      %mul3A_53 = arith.constant 2 : i32
      %mul3A_54 = arith.muli %scan3A_52, %mul3A_53 : i32
      %add3A_55 = arith.constant 0 : i32
      %add3A_56 = arith.addi %mul3A_54, %add3A_55 : i32
      %mul3A_57 = arith.constant 160 : i32
      %mul3A_58 = arith.muli %add3A_56, %mul3A_57 : i32
      %multiple_of3A_59 = tpu.assume_multiple %mul3A_58, 8 : i32
      %dma_wait3A_60 = tpu.memref_slice %arg6[%multiple_of3A_59] : memref<6400xi32, #tpu.memory_space<vmem>> -> memref<160xi32, #tpu.memory_space<vmem>>
      %dma_wait3A_61 = arith.constant 0 : i32
      %dma_wait3A_62 = arith.constant 0 : i32
      %dma_wait3A_63 = tpu.memref_slice %arg5[%dma_wait3A_61, %dma_wait3A_62] : memref<10000x128xf32, #tpu.memory_space<vmem_shared>> -> memref<10000x128xf32, #tpu.memory_space<vmem_shared>>
      tpu.wait_indirect_dma semaphore(%arg9 : memref<!tpu.dma_semaphore, #tpu.memory_space<semaphore_mem>>) src(%dma_wait3A_63 : memref<10000x128xf32, #tpu.memory_space<vmem_shared>>) dst(%arg7 : memref<160x128xf32, #tpu.memory_space<vmem>>)
      %mul3A_64 = arith.constant 160 : i32
      %mul3A_65 = arith.muli %add3A_56, %mul3A_64 : i32
      %add3A_66 = arith.addi %multiple_of3A, %mul3A_65 : i32
      %multiple_of3A_67 = tpu.assume_multiple %add3A_66, 8 : i32
      %dma_start3A_68 = arith.constant 0 : i32
      %dma_start3A_69 = tpu.memref_slice %arg4[%multiple_of3A_67, %dma_start3A_68] : memref<204800x128xf32, #tpu.memory_space<hbm>> -> memref<160x128xf32, #tpu.memory_space<hbm>>
      %dma_start3A_70 = arith.constant 0 : i32
      %dma_start3A_71 = tpu.memref_slice %arg4[%multiple_of3A_67, %dma_start3A_70] : memref<204800x128xf32, #tpu.memory_space<hbm>> -> memref<160x128xf32, #tpu.memory_space<hbm>>
      tpu.enqueue_dma source(%arg7 : memref<160x128xf32, #tpu.memory_space<vmem>>) target(%dma_start3A_71 : memref<160x128xf32, #tpu.memory_space<hbm>>) target_semaphore(%arg11 : memref<!tpu.dma_semaphore, #tpu.memory_space<semaphore_mem>>)
      %add3A_72 = arith.constant 2 : i32
      %add3A_73 = arith.addi %add3A_56, %add3A_72 : i32
      %lt3A = arith.constant 40 : i32
      %lt3A_74 = arith.cmpi slt, %add3A_73, %lt3A : i32
      %convert_element_type3A_75 = arith.extui %lt3A_74 : i1 to i32
      %cond3A_76 = arith.constant 0 : i32
      %cond3A_77 = arith.cmpi ne, %convert_element_type3A_75, %cond3A_76 : i32
      scf.if %cond3A_77 {
        %mul3A_104 = arith.constant 160 : i32
        %mul3A_105 = arith.muli %add3A_56, %mul3A_104 : i32
        %add3A_106 = arith.addi %multiple_of3A, %mul3A_105 : i32
        %multiple_of3A_107 = tpu.assume_multiple %add3A_106, 8 : i32
        %dma_wait3A_108 = arith.constant 0 : i32
        %dma_wait3A_109 = tpu.memref_slice %arg4[%multiple_of3A_107, %dma_wait3A_108] : memref<204800x128xf32, #tpu.memory_space<hbm>> -> memref<160x128xf32, #tpu.memory_space<hbm>>
        %dma_wait3A_110 = arith.constant 0 : i32
        %dma_wait3A_111 = tpu.memref_slice %arg4[%multiple_of3A_107, %dma_wait3A_110] : memref<204800x128xf32, #tpu.memory_space<hbm>> -> memref<160x128xf32, #tpu.memory_space<hbm>>
        tpu.wait_dma2 semaphore(%arg11 : memref<!tpu.dma_semaphore, #tpu.memory_space<semaphore_mem>>) src(%arg7 : memref<160x128xf32, #tpu.memory_space<vmem>>) dst(%dma_wait3A_111 : memref<160x128xf32, #tpu.memory_space<hbm>>)
        %add3A_112 = arith.constant 2 : i32
        %add3A_113 = arith.addi %add3A_56, %add3A_112 : i32
        %mul3A_114 = arith.constant 160 : i32
        %mul3A_115 = arith.muli %add3A_113, %mul3A_114 : i32
        %multiple_of3A_116 = tpu.assume_multiple %mul3A_115, 8 : i32
        %dma_start3A_117 = tpu.memref_slice %arg6[%multiple_of3A_116] : memref<6400xi32, #tpu.memory_space<vmem>> -> memref<160xi32, #tpu.memory_space<vmem>>
        %dma_start3A_118 = arith.constant 0 : i32
        %dma_start3A_119 = arith.constant 0 : i32
        %dma_start3A_120 = tpu.memref_slice %arg5[%dma_start3A_118, %dma_start3A_119] : memref<10000x128xf32, #tpu.memory_space<vmem_shared>> -> memref<10000x128xf32, #tpu.memory_space<vmem_shared>>
        tpu.enqueue_indirect_dma source(%dma_start3A_120 : memref<10000x128xf32, #tpu.memory_space<vmem_shared>>) target(%arg7 : memref<160x128xf32, #tpu.memory_space<vmem>>) offsets(%dma_start3A_117 : memref<160xi32, #tpu.memory_space<vmem>>) semaphore(%arg9 : memref<!tpu.dma_semaphore, #tpu.memory_space<semaphore_mem>>)
      } else {
      }
      %mul3A_78 = arith.constant 2 : i32
      %mul3A_79 = arith.muli %scan3A_52, %mul3A_78 : i32
      %add3A_80 = arith.constant 1 : i32
      %add3A_81 = arith.addi %mul3A_79, %add3A_80 : i32
      %mul3A_82 = arith.constant 160 : i32
      %mul3A_83 = arith.muli %add3A_81, %mul3A_82 : i32
      %multiple_of3A_84 = tpu.assume_multiple %mul3A_83, 8 : i32
      %dma_wait3A_85 = tpu.memref_slice %arg6[%multiple_of3A_84] : memref<6400xi32, #tpu.memory_space<vmem>> -> memref<160xi32, #tpu.memory_space<vmem>>
      %dma_wait3A_86 = arith.constant 0 : i32
      %dma_wait3A_87 = arith.constant 0 : i32
      %dma_wait3A_88 = tpu.memref_slice %arg5[%dma_wait3A_86, %dma_wait3A_87] : memref<10000x128xf32, #tpu.memory_space<vmem_shared>> -> memref<10000x128xf32, #tpu.memory_space<vmem_shared>>
      tpu.wait_indirect_dma semaphore(%arg10 : memref<!tpu.dma_semaphore, #tpu.memory_space<semaphore_mem>>) src(%dma_wait3A_88 : memref<10000x128xf32, #tpu.memory_space<vmem_shared>>) dst(%arg8 : memref<160x128xf32, #tpu.memory_space<vmem>>)
      %mul3A_89 = arith.constant 160 : i32
      %mul3A_90 = arith.muli %add3A_81, %mul3A_89 : i32
      %add3A_91 = arith.addi %multiple_of3A, %mul3A_90 : i32
      %multiple_of3A_92 = tpu.assume_multiple %add3A_91, 8 : i32
      %dma_start3A_93 = arith.constant 0 : i32
      %dma_start3A_94 = tpu.memref_slice %arg4[%multiple_of3A_92, %dma_start3A_93] : memref<204800x128xf32, #tpu.memory_space<hbm>> -> memref<160x128xf32, #tpu.memory_space<hbm>>
      %dma_start3A_95 = arith.constant 0 : i32
      %dma_start3A_96 = tpu.memref_slice %arg4[%multiple_of3A_92, %dma_start3A_95] : memref<204800x128xf32, #tpu.memory_space<hbm>> -> memref<160x128xf32, #tpu.memory_space<hbm>>
      tpu.enqueue_dma source(%arg8 : memref<160x128xf32, #tpu.memory_space<vmem>>) target(%dma_start3A_96 : memref<160x128xf32, #tpu.memory_space<hbm>>) target_semaphore(%arg12 : memref<!tpu.dma_semaphore, #tpu.memory_space<semaphore_mem>>)
      %add3A_97 = arith.constant 2 : i32
      %add3A_98 = arith.addi %add3A_81, %add3A_97 : i32
      %lt3A_99 = arith.constant 40 : i32
      %lt3A_100 = arith.cmpi slt, %add3A_98, %lt3A_99 : i32
      %convert_element_type3A_101 = arith.extui %lt3A_100 : i1 to i32
      %cond3A_102 = arith.constant 0 : i32
      %cond3A_103 = arith.cmpi ne, %convert_element_type3A_101, %cond3A_102 : i32
      scf.if %cond3A_103 {
        %mul3A_104 = arith.constant 160 : i32
        %mul3A_105 = arith.muli %add3A_81, %mul3A_104 : i32
        %add3A_106 = arith.addi %multiple_of3A, %mul3A_105 : i32
        %multiple_of3A_107 = tpu.assume_multiple %add3A_106, 8 : i32
        %dma_wait3A_108 = arith.constant 0 : i32
        %dma_wait3A_109 = tpu.memref_slice %arg4[%multiple_of3A_107, %dma_wait3A_108] : memref<204800x128xf32, #tpu.memory_space<hbm>> -> memref<160x128xf32, #tpu.memory_space<hbm>>
        %dma_wait3A_110 = arith.constant 0 : i32
        %dma_wait3A_111 = tpu.memref_slice %arg4[%multiple_of3A_107, %dma_wait3A_110] : memref<204800x128xf32, #tpu.memory_space<hbm>> -> memref<160x128xf32, #tpu.memory_space<hbm>>
        tpu.wait_dma2 semaphore(%arg12 : memref<!tpu.dma_semaphore, #tpu.memory_space<semaphore_mem>>) src(%arg8 : memref<160x128xf32, #tpu.memory_space<vmem>>) dst(%dma_wait3A_111 : memref<160x128xf32, #tpu.memory_space<hbm>>)
        %add3A_112 = arith.constant 2 : i32
        %add3A_113 = arith.addi %add3A_81, %add3A_112 : i32
        %mul3A_114 = arith.constant 160 : i32
        %mul3A_115 = arith.muli %add3A_113, %mul3A_114 : i32
        %multiple_of3A_116 = tpu.assume_multiple %mul3A_115, 8 : i32
        %dma_start3A_117 = tpu.memref_slice %arg6[%multiple_of3A_116] : memref<6400xi32, #tpu.memory_space<vmem>> -> memref<160xi32, #tpu.memory_space<vmem>>
        %dma_start3A_118 = arith.constant 0 : i32
        %dma_start3A_119 = arith.constant 0 : i32
        %dma_start3A_120 = tpu.memref_slice %arg5[%dma_start3A_118, %dma_start3A_119] : memref<10000x128xf32, #tpu.memory_space<vmem_shared>> -> memref<10000x128xf32, #tpu.memory_space<vmem_shared>>
        tpu.enqueue_indirect_dma source(%dma_start3A_120 : memref<10000x128xf32, #tpu.memory_space<vmem_shared>>) target(%arg8 : memref<160x128xf32, #tpu.memory_space<vmem>>) offsets(%dma_start3A_117 : memref<160xi32, #tpu.memory_space<vmem>>) semaphore(%arg10 : memref<!tpu.dma_semaphore, #tpu.memory_space<semaphore_mem>>)
      } else {
      }
    }
    %scan3A_37 = arith.constant 20 : i32
    %add3A_38 = arith.constant 6080 : i32
    %add3A_39 = arith.addi %multiple_of3A, %add3A_38 : i32
    %multiple_of3A_40 = tpu.assume_multiple %add3A_39, 8 : i32
    %dma_wait3A_41 = arith.constant 0 : i32
    %dma_wait3A_42 = tpu.memref_slice %arg4[%multiple_of3A_40, %dma_wait3A_41] : memref<204800x128xf32, #tpu.memory_space<hbm>> -> memref<160x128xf32, #tpu.memory_space<hbm>>
    %dma_wait3A_43 = arith.constant 0 : i32
    %dma_wait3A_44 = tpu.memref_slice %arg4[%multiple_of3A_40, %dma_wait3A_43] : memref<204800x128xf32, #tpu.memory_space<hbm>> -> memref<160x128xf32, #tpu.memory_space<hbm>>
    tpu.wait_dma2 semaphore(%arg11 : memref<!tpu.dma_semaphore, #tpu.memory_space<semaphore_mem>>) src(%arg7 : memref<160x128xf32, #tpu.memory_space<vmem>>) dst(%dma_wait3A_44 : memref<160x128xf32, #tpu.memory_space<hbm>>)
    %add3A_45 = arith.constant 6240 : i32
    %add3A_46 = arith.addi %multiple_of3A, %add3A_45 : i32
    %multiple_of3A_47 = tpu.assume_multiple %add3A_46, 8 : i32
    %dma_wait3A_48 = arith.constant 0 : i32
    %dma_wait3A_49 = tpu.memref_slice %arg4[%multiple_of3A_47, %dma_wait3A_48] : memref<204800x128xf32, #tpu.memory_space<hbm>> -> memref<160x128xf32, #tpu.memory_space<hbm>>
    %dma_wait3A_50 = arith.constant 0 : i32
    %dma_wait3A_51 = tpu.memref_slice %arg4[%multiple_of3A_47, %dma_wait3A_50] : memref<204800x128xf32, #tpu.memory_space<hbm>> -> memref<160x128xf32, #tpu.memory_space<hbm>>
    tpu.wait_dma2 semaphore(%arg12 : memref<!tpu.dma_semaphore, #tpu.memory_space<semaphore_mem>>) src(%arg8 : memref<160x128xf32, #tpu.memory_space<vmem>>) dst(%dma_wait3A_51 : memref<160x128xf32, #tpu.memory_space<hbm>>)
    return
  }
}

module attributes {stable_mosaic.version = 14 : i64} {
  func.func @_table_body(%arg0: i32, %arg1: memref<5000x128xf32, #tpu.memory_space<vmem>>, %arg2: memref<128x128xf32, #tpu.memory_space<vmem>>, %arg3: memref<1x128xf32, #tpu.memory_space<vmem>>, %arg4: memref<5000x128xf32, #tpu.memory_space<vmem>>) attributes {dimension_semantics = [#tpu.dimension_semantics<arbitrary>], iteration_bounds = array<i64: 2>, scalar_prefetch = 0 : i64, scratch_operands = 0 : i64, tpu.core_type = #tpu.core_type<tc>, window_params = [{transform_indices = @transform_0, window_bounds = array<i64: 5000, 128>}, {pipeline_mode = #tpu.pipeline_mode<synchronous>, transform_indices = @transform_1, window_bounds = array<i64: 128, 128>}, {pipeline_mode = #tpu.pipeline_mode<synchronous>, transform_indices = @transform_2, window_bounds = array<i64: 1, 128>}, {transform_indices = @transform_3, window_bounds = array<i64: 5000, 128>}]} {
    %get3A = arith.constant 0 : index
    %get3A_0 = arith.constant 0 : index
    %get3A_1 = vector.load %arg1[%get3A, %get3A_0] : memref<5000x128xf32, #tpu.memory_space<vmem>>, vector<5000x128xf32>
    %get3A_2 = arith.constant 0 : index
    %get3A_3 = arith.constant 0 : index
    %get3A_4 = vector.load %arg2[%get3A_2, %get3A_3] : memref<128x128xf32, #tpu.memory_space<vmem>>, vector<128x128xf32>
    %dot_general3A = arith.constant dense<0.000000e+00> : vector<5000x128xf32>
    %dot_general3A_5 = tpu.matmul %get3A_1, %get3A_4, %dot_general3A {dimension_numbers = #tpu.dot_dimension_numbers<[1], [1], [0], [0], [0, 0, 1, 0], [], []>, transpose_lhs_hint = false} : vector<5000x128xf32>, vector<128x128xf32>, vector<5000x128xf32> -> vector<5000x128xf32>
    %get3A_6 = arith.constant 0 : index
    %get3A_7 = arith.constant 0 : index
    %get3A_8 = vector.load %arg3[%get3A_6, %get3A_7] : memref<1x128xf32, #tpu.memory_space<vmem>>, vector<1x128xf32>
    %add3A = vector.broadcast %get3A_8 : vector<1x128xf32> to vector<5000x128xf32>
    %add3A_9 = arith.addf %dot_general3A_5, %add3A : vector<5000x128xf32>
    %swap3A = arith.constant 0 : index
    %swap3A_10 = arith.constant 0 : index
    %swap3A_11 = vector.load %arg4[%swap3A, %swap3A_10] : memref<5000x128xf32, #tpu.memory_space<vmem>>, vector<5000x128xf32>
    tpu.vector_store %arg4[%swap3A, %swap3A_10], %add3A_9 {strides = array<i32>} : memref<5000x128xf32, #tpu.memory_space<vmem>>, vector<5000x128xf32>,
    return
  }
  func.func @transform_0(%arg0: i32) -> (i32, i32) {
    %c0_i32 = arith.constant 0 : i32
    %c0_i32_0 = arith.constant 0 : i32
    return %arg0, %c0_i32 : i32, i32
  }
  func.func @transform_1(%arg0: i32) -> (i32, i32) {
    %c0_i32 = arith.constant 0 : i32
    %c0_i32_0 = arith.constant 0 : i32
    %c0_i32_1 = arith.constant 0 : i32
    return %c0_i32, %c0_i32_0 : i32, i32
  }
  func.func @transform_2(%arg0: i32) -> (i32, i32) {
    %c0_i32 = arith.constant 0 : i32
    %c0_i32_0 = arith.constant 0 : i32
    %c0_i32_1 = arith.constant 0 : i32
    return %c0_i32, %c0_i32_0 : i32, i32
  }
  func.func @transform_3(%arg0: i32) -> (i32, i32) {
    %c0_i32 = arith.constant 0 : i32
    %c0_i32_0 = arith.constant 0 : i32
    return %arg0, %c0_i32 : i32, i32
  }
}

</mosaic_0001>

<sc_bundles>
// kernel: kernel.4.cloned.1.call-start
scs
__scs_entry_jumppad:
0x0: {  	(pc) =	sbr.rel $0x88, $3  }
0x1: {  	(tag) =	ssettag $0x0;
	lr =	simm.s32 $0x1  }
0x2: {  	[smem:$0x3F9D] =	sst lr;
	_ =	strace $0xD0000000  }
0x3: {  	_ = 	snop  }
0x4: {  	_ = 	snop  }
0x5: {  	_ = 	snop  }
0x6: {  	_ = 	snop  }
0x7: {  	_ = 	snop  }
__scs_overlays_trampoline_lowered:
0x8: {  	[smem:$0x3FAC] =	sst s0  }
0x9: {  	[smem:$0x3FAD] =	sst s1  }
0xa: {  	[smem:$0x3FAE] =	sst s2  }
0xb: {  	[smem:$0x3FAF] =	sst s3  }
0xc: {  	[smem:$0x3FB0] =	sst s4  }
0xd: {  	[smem:$0x3FB1] =	sst s5  }
0xe: {  	[smem:$0x3FB2] =	sst s6  }
0xf: {  	[smem:$0x3FB3] =	sst s7  }
0x10: {  	[smem:$0x3FB4] =	sst s8  }
0x11: {  	[smem:$0x3FB5] =	sst s9;
	s0 =	simm.s32 @!p0 $0x0  }
0x12: {  	s1 =	sld [smem:$0x3F9B];
	s0 =	simm.s32 @p0 $0x1  }
0x13: {  	[smem:$0x3FB6] =	sst s0;
	s0 =	simm.s32 @!p1 $0x0  }
0x14: {  	s2 =	sld [smem:$0x3F9A];
	s0 =	simm.s32 @p1 $0x1  }
0x15: {  	[smem:$0x3FB7] =	sst s0;
	s0 =	simm.s32 @!p2 $0x0  }
0x16: {  	s3 =	sld [smem:$0x3FDB];
	s0 =	simm.s32 @p2 $0x1  }
0x17: {  	s4 =	simm.s32 $0x1BF5;
	[smem:$0x3FB9] =	sst s0  }
0x18: {  	s0 =	sld [smem:$0x3F9C];
	_ =	swait.ge [sflag:s4], $0x0  }
0x19: {  	s7 =	sld [smem:$0x3F9D]  }
0x1a: {  	s8 =	sadd.s32 $0xFFFFE003, lr  }
0x1b: {  	s9 =	sadd.s32 $0xFFFFFEF7, lr;
	s5 =	simm.s32 $0xFFFFFFFF;
	p2 =	slt.u32 s8, $0xFFFFF086  }
0x1c: {  	p1 =	slt.u32 s9, $0xF7A;
	s5 =	simm.s32 @!p2 $0x0  }
0x1d: {  	s5 =	simm.s32 @p1 $0x1;
	p0 =	seq.s32 s7, s2  }
0x1e: {  	s7 =	smul.u32 @!p0 $0xF7A, s2;
	p2 =	seq.s32 @!p0 s5, $0x0  }
0x1f: {  	s9 =	smul.u32 $0xF7A, s1;
	s8 =	simm.s32 @!p0 $0x1BF5;
	p2 =	por !p2, p0  }
0x20: {  	[sflag:s8] =	ssyncset.s32 @!p0 $0xFFFFF086;
	s6 =	sadd.s32 @!p0 s3, s7;
	s7 =	simm.s32 @!p0 $0x108  }
0x21: {  	s3 =	sadd.s32 s3, s9;
	s6 =	sadd.s32 @!p0 $0x88, s6;
	s7 =	simm.s32 @p2 $0x1082  }
0x22: {  	[simem:s7], [sflag:s8] =	dma.local @!p0 [hbm:s6], $0xF7A  }
0x23: {  	s9 =	sor.u32 $0xD0000000, s2;
	s6 =	simm.s32 $0x108;
	_ =	swait.ge @!p0 [sflag:s8], $0x0  }
0x24: {  	s3 =	sadd.s32 $0x88, s3;
	s6 =	simm.s32 @!p1 $0x1082;
	[sflag:s4] =	ssyncset.s32 $0xFFFFF086  }
0x25: {  	[simem:s6], [sflag:s4] =	dma.local [hbm:s3], $0xF7A  }
0x26: {  	[smem:$0x3F9D] =	sst s1;
	(tag) =	ssettag s2;
	_ =	strace s9  }
0x27: {  	s1 =	sld [smem:$0x3FAD]  }
0x28: {  	s2 =	sld [smem:$0x3FAE]  }
0x29: {  	s4 =	sld [smem:$0x3FB0]  }
0x2a: {  	p0 =	seq.s32 s5, $0x0;
	s5 =	sld [smem:$0x3FB1]  }
0x2b: {  	s6 =	sld [smem:$0x3FB2]  }
0x2c: {  	s7 =	sld [smem:$0x3FB3]  }
0x2d: {  	s3 =	simm.s32 $0x108;
	s8 =	sld [smem:$0x3FB4]  }
0x2e: {  	s3 =	simm.s32 @!p0 $0x1082;
	s9 =	sld [smem:$0x3FB5]  }
0x2f: {  	lr =	sadd.s32 s0, s3;
	s0 =	sld [smem:$0x3FAC]  }
0x30: {  	s3 =	sld [smem:$0x3FAF]  }
0x31: {  	[smem:$0x3FB8] =	sst s10  }
0x32: {  	s10 =	sld [smem:$0x3FB6];
	_ =	sdelay $0x3  }
0x33: {  	p0 =	seq.s32 s10, $0x1;
	s10 =	sld [smem:$0x3FB8];
	_ =	sdelay $0x3  }
0x34: {  	[smem:$0x3FB8] =	sst s10  }
0x35: {  	s10 =	sld [smem:$0x3FB7];
	_ =	sdelay $0x3  }
0x36: {  	p1 =	seq.s32 s10, $0x1;
	s10 =	sld [smem:$0x3FB8];
	_ =	sdelay $0x3  }
0x37: {  	[smem:$0x3FB8] =	sst s10  }
0x38: {  	s10 =	sld [smem:$0x3FB9]  }
0x39: {  	_ = 	snop;
	(pc) =	sbr.ind lr, $3  }
0x3a: {  	_ = 	snop  }
0x3b: {  	_ = 	snop  }
0x3c: {  	p2 =	seq.s32 s10, $0x1;
	s10 =	sld [smem:$0x3FB8]  }
0x3d: {  	_ =	shalt  }
0x3e: {  	_ =	shalt  }
0x3f: {  	_ =	shalt  }
0x40: {  	_ =	shalt  }
0x41: {  	_ =	shalt  }
0x42: {  	_ =	shalt  }
0x43: {  	_ =	shalt  }
0x44: {  	_ =	shalt  }
0x45: {  	_ =	shalt  }
0x46: {  	_ =	shalt  }
0x47: {  	_ =	shalt  }
0x48: {  	_ =	shalt  }
0x49: {  	_ =	shalt  }
0x4a: {  	_ =	shalt  }
0x4b: {  	_ =	shalt  }
0x4c: {  	_ =	shalt  }
0x4d: {  	_ =	shalt  }
0x4e: {  	_ =	shalt  }
0x4f: {  	_ =	shalt  }
0x50: {  	_ =	shalt  }
0x51: {  	_ =	shalt  }
0x52: {  	_ =	shalt  }
0x53: {  	_ =	shalt  }
0x54: {  	_ =	shalt  }
0x55: {  	_ =	shalt  }
0x56: {  	_ =	shalt  }
0x57: {  	_ =	shalt  }
0x58: {  	_ =	shalt  }
0x59: {  	_ =	shalt  }
0x5a: {  	_ =	shalt  }
0x5b: {  	_ =	shalt  }
0x5c: {  	_ =	shalt  }
0x5d: {  	_ =	shalt  }
0x5e: {  	_ =	shalt  }
0x5f: {  	_ =	shalt  }
0x60: {  	_ =	shalt  }
0x61: {  	_ =	shalt  }
0x62: {  	_ =	shalt  }
0x63: {  	_ =	shalt  }
0x64: {  	_ =	shalt  }
0x65: {  	_ =	shalt  }
0x66: {  	_ =	shalt  }
0x67: {  	_ =	shalt  }
0x68: {  	_ =	shalt  }
0x69: {  	_ =	shalt  }
0x6a: {  	_ =	shalt  }
0x6b: {  	_ =	shalt  }
0x6c: {  	_ =	shalt  }
0x6d: {  	_ =	shalt  }
0x6e: {  	_ =	shalt  }
0x6f: {  	_ =	shalt  }
0x70: {  	_ =	shalt  }
0x71: {  	_ =	shalt  }
0x72: {  	_ =	shalt  }
0x73: {  	_ =	shalt  }
0x74: {  	_ =	shalt  }
0x75: {  	_ =	shalt  }
0x76: {  	_ =	shalt  }
0x77: {  	_ =	shalt  }
0x78: {  	_ =	shalt  }
0x79: {  	_ =	shalt  }
0x7a: {  	_ =	shalt  }
0x7b: {  	_ =	shalt  }
0x7c: {  	_ =	shalt  }
0x7d: {  	_ =	shalt  }
0x7e: {  	_ =	shalt  }
0x7f: {  	_ =	shalt  }
0x80: {  	_ =	shalt  }
0x81: {  	_ =	shalt  }
0x82: {  	_ =	shalt  }
0x83: {  	_ =	shalt  }
0x84: {  	_ =	shalt  }
0x85: {  	_ =	shalt  }
0x86: {  	_ =	shalt  }
0x87: {  	_ =	shalt  }
.Lfunc_end0:
.L_simem_size_0:
called_computation_lowered:
.L_overlay_start_0:
0x88: {  	s2 =	sld [smem:$0x3FD9]  }
0x89: {  	s3 =	sld [smem:$0x3FFE];
	_ =	sdelay $0x1  }
0x8a: {  	s1 =	srdreg.scid  }
0x8b: {  	s0 =	sand.u32 $0x1, s1  }
0x8c: {  	s17 =	sshll.u32 s0, $0xA;
	s2 =	sadd.s32 s3, s2  }
0x8d: {  	s2 =	sadd.s32 s2, s17  }
0x8e: {  	[smem:$0x3FC4] =	sst s2  }
0x8f: {  	_ = 	snop  }
0x90: {  	s2 =	sld [smem:$0x3FD0];
	(tm) =	ssettm $0x1  }
0x91: {  	s18 =	sld [smem:$0x3FFB];
	_ =	sdelay $0x3  }
0x92: {  	_ =	strace s18  }
0x93: {  	s3 =	sld [smem:$0x3FFC];
	_ =	sdelay $0x3  }
0x94: {  	_ =	strace s3  }
0x95: {  	s3 =	sld [smem:$0x3FFD];
	_ =	sdelay $0x3  }
0x96: {  	_ =	strace s3  }
0x97: {  	_ =	strace $0x8FFFFFFF  }
0x98: {  	s19 =	sld [smem:$0x3FDB];
	_ =	sdelay $0x1  }
0x99: {  	s4 =	simm.s32 $_scs_section_size  }
0x9a: {  	s5 =	simm.s32 $_size__tile_overlayer_lowered;
	s6 =	simm.s32 $_tile_overlayer_lowered  }
0x9b: {  	s22 =	simm.s32 $0x1BFF;
	s21 =	sshll.u32 s6, $0x1;
	s3 =	sadd.s32 s4, s19  }
0x9c: {  	s7 =	simm.s32 $0x0;
	s20 =	sshll.u32 s5, $0x1;
	s5 =	sadd.s32 s21, s3  }
0x9d: {  	[timem:s7], [sflag:s22] =	dma.local [hbm:s5], s20  }
0x9e: {  	_ =	swait.ge [sflag:s22], s20  }
0x9f: {  	s4 =	ssub.s32 $0x0, s20;
	[sflag:s22] =	ssyncset.done $0x0  }
0xa0: {  	[sflag:s22] =	ssyncadd.s32 s4;
	_ =	sdelay $0x1  }
0xa1: {  	s23 =	simm.s32 $0x1B8B  }
0xa2: {  	_ =	swait.ge [sflag:s23], $0x1  }
0xa3: {  	[sflag:s23] =	ssyncset.done $0x0  }
0xa4: {  	s25 =	simm.s32 $0x1B8E;
	s24 =	sld [smem:$0x3FFE];
	[sflag:s23] =	ssyncadd.s32 $0xFFFFFFFF  }
0xa5: {  	s26 =	simm.s32 $execute0_lowered;
	[smem:$0x3FD2] =	sst s25  }
0xa6: {  	s5 =	sshll.u32 s26, $0x1;
	_ =	strace $0x80000046;
	[dreg:$0x1] =	wrdreg $0xFFFFFFFF  }
0xa7: {  	s28 =	simm.s32 $_size_execute0_lowered;
	s3 =	sadd.s32 s3, s5;
	[dreg:$0x0] =	wrdreg $0x0  }
0xa8: {  	s5 =	sshll.u32 s28, $0x1;
	[dreg:$0x2] =	wrdreg s3  }
0xa9: {  	[dreg:$0x3] =	wrdreg s5  }
0xaa: {  	[dreg:$0x4] =	wrdreg $0xC0  }
0xab: {  	_ =	task [dreg:s7], $0x5FFFF  }
0xac: {  	[dreg:$0x1] =	wrdreg $0xFFFFFFFF  }
0xad: {  	[dreg:$0x0] =	wrdreg $0x60  }
0xae: {  	[dreg:$0x2] =	wrdreg s24  }
0xaf: {  	[dreg:$0x3] =	wrdreg s2  }
0xb0: {  	[dreg:$0x4] =	wrdreg $0x0  }
0xb1: {  	[dreg:$0x5] =	wrdreg $0x9  }
0xb2: {  	_ =	task.clear_ibuf [dreg:s7], $0x6FFFF;
	_ =	strace $0x90000046  }
0xb3: {  	s29 =	simm.s32 $0x9;
	_ =	strace $0x80000048  }
0xb4: {  	_ =	swait.ge [sflag:s29], $0x1  }
0xb5: {  	[sflag:s29] =	ssyncadd.s32 $0xFFFFFFFF  }
0xb6: {  	_ =	strace $0x90000048  }
0xb7: {  	_ =	sfence  }
0xb8: {  	s30 =	sld [smem:$0x0];
	_ =	sdelay $0x2  }
0xb9: {  	s31 =	sshll.u32 s1, $0xD;
	s1 =	sshrl.u32 s1, $0x2  }
0xba: {  	s3 =	sand.u32 $0x4000, s31;
	s1 =	sadd.s32 s1, s30  }
0xbb: {  	s0 =	sor.u32 s3, s0;
	s1 =	sshll.u32 s1, $0x11  }
0xbc: {  	s0 =	sor.u32 s1, s0  }
0xbd: {  	s0 =	sadd.s32 $0x8F2B, s0  }
0xbe: {  	[sflag:s0] =	ssyncadd.remote.s32 $0x1  }
0xbf: {  	_ =	sfence.sel $0xFFFF  }
0xc0: {  	[dreg:$0x0] =	wrdreg $0xFFFFFFFF;
	(pc) =	sbr.abs _section_cstart, $3  }
0xc1: {  	[dreg:$0x1] =	wrdreg $0xFFFFFFFF  }
0xc2: {  	_ =	task.clear_ibuf [dreg:s7], $0x2FFFF;
	_ =	strace $0x9FFFFFFF  }
0xc3: {  	(tm) =	ssettm $0x7FFFFFFF  }
tec
execute0_lowered:
.L_overlay_start_1:
0x0: {  	(tag) =	ssettag $0x1  }
0x1: {  	s7 =	rddreg [dreg:$0x0]  }
0x2: {  	s12 =	rddreg [dreg:$0x1]  }
0x3: {  	s1 =	srdreg.scid;
	s0 =	stileid.u32  }
0x4: {  	s2 =	rddreg [dreg:$0x2];
	s3 =	simm.s32 $0x0;
	s18 =	simm.s32 $0x15180  }
0x5: {  	s19 =	simm.s32 $0x13920;
	s20 =	simm.s32 $0x1A180;
	s21 =	simm.s32 $0x5  }
0x6: {  	s22 =	simm.s32 $0x1;
	s23 =	simm.s32 $0x3;
	s24 =	simm.s32 $0x2  }
0x7: {  	s25 =	simm.s32 $0x4;
	s26 =	simm.s32 $0x0;
	s11 =	sand.u32 $0x1, s1  }
0x8: {  	s4 =	sshll.u32 s0, $0x1;
	[smem:$0x7FF] =	sst s3;
	s8 =	smul.u32 $0x4E000, s0  }
0x9: {  	s13 =	smul.u32 $0x2700, s0;
	s28 =	sshll.u32 s0, $0x6;
	s16 =	sadd.s32 $0x138000, s2  }
0xa: {  	s31 =	smul.u32 $0x32000, s0;
	p0 =	sne.s32 s0, $0xF;
	s6 =	sor.u32 s11, s4  }
0xb: {  	_ =	strace $0x80000047;
	s9 =	ssub.s32 $0x2, s11;
	s17 =	smul.u32 $0x19000, s11  }
0xc: {  	s4 =	sadd.s32 $0x7000, s7;
	s5 =	smul.u32 $0x1900, s6;
	s10 =	sshrl.u32 s9, $0x1  }
0xd: {  	s8 =	sshrl.u32 s8, $0x2;
	s29 =	smul.u32 $0x19000, s6;
	s6 =	sor.u32 $0x1C05, s28  }
0xe: {  	s9 =	ssub.s32 s9, s10;
	s15 =	sadd.s32 s8, s2;
	s5 =	sshrl.u32 s5, $0x3  }
0xf: {  	s30 =	sadd.s32 s12, s29;
	s9 =	smax.u32 s9, $0x1;
	s12 =	sadd.s32 s31, s12  }
0x10: {  	s14 =	sadd.s32 s5, s7;
	s5 =	sadd.s32 s4, s13;
	s7 =	sadd.s32 $0x2E000, s7  }
0x11: {  	s10 =	sadd.s32 $0x17C00, s30;
	s11 =	sadd.s32 $0x18600, s30;
	s12 =	sadd.s32 s17, s12  }
0x12: {  	s13 =	sshrl.u32 s15, $0x3;
	s15 =	simm.s32 $0x13880;
	s17 =	simm.s32 $0xA0  }
0x13: {  	s8 =	sadd.s32 $0xC00, s14;
	s14 =	sshrl.u32 @!p0 s16, $0x3;
	s16 =	simm.s32 $0x6  }
.LBB2_1:
0x14: {  	[spmem:s13], [sflag:s6] =	dma.local [hbm:s5], $0x2700  }
0x15: {  	[spmem:s14], [sflag:s6] =	dma.local @!p0 [hbm:s7], $0x100  }
0x16: {  	[tilespmem:s15], [sflag:$0x6] =	stream.linear.gather [hbm4b:s8+s3], $0x1900, $0x38;
	[tilespmem:$0x1F180] =	vst v63  }
0x17: {  	_ =	swait.ge [sflag:s16], $0x1900  }
0x18: {  	[sflag:s16] =	ssyncset.done $0x0  }
0x19: {  	[sflag:s16] =	ssyncadd.s32 $0xFFFFE700  }
0x1a: {  	[tilespmem:s18], [sflag:$0x1] =	stream.indirect.gather [hbm4b:s4+s17], $0x80, s15, s17, $0xb8;
	[tilespmem:$0x1F180] =	vst v63  }
0x1b: {  	_ = 	snop  }
0x1c: {  	[tilespmem:s20], [sflag:$0x2] =	stream.indirect.gather [hbm4b:s4+s17], $0x80, s19, s17, $0xb8;
	[tilespmem:$0x1F180] =	vst v63  }
0x1d: {  	_ =	swait.ge [sflag:s21], $0x2700  }
0x1e: {  	[sflag:s21] =	ssyncset.done $0x0  }
0x1f: {  	s28 =	simm.s32 @!p0 $0x5;
	[sflag:s21] =	ssyncadd.s32 $0xFFFFD900  }
0x20: {  	_ =	swait.ge @!p0 [sflag:s28], $0x100  }
0x21: {  	[sflag:s28] =	ssyncset.done @!p0 $0x0  }
0x22: {  	[sflag:s28] =	ssyncadd.s32 @!p0 $0xFFFFFF00  }
0x23: {  	[bflag:$0x0] =	sbarrier.arrive $0xFFFF  }
0x24: {  	_ =	swait.ge [sflag:s22], $0x5000  }
0x25: {  	[sflag:s22] =	ssyncset.done $0x0  }
0x26: {  	s28 =	sadd.s32 $0x0, s12;
	[sflag:s22] =	ssyncadd.s32 $0xFFFFB000  }
0x27: {  	[hbm4b:s28+s3] =	stream.linear.scatter [tilespmem:s18], [sflag:$0x3], $0x5000, $0x38;
	[tilespmem:$0x1F180] =	vst v63  }
0x28: {  	_ =	swait.ge [sflag:s23], $0x5000  }
0x29: {  	[sflag:s23] =	ssyncset.done $0x0  }
0x2a: {  	s29 =	simm.s32 $0x139C0;
	[sflag:s23] =	ssyncadd.s32 $0xFFFFB000  }
0x2b: {  	[tilespmem:s18], [sflag:$0x1] =	stream.indirect.gather [spmem:s2], $0x80, s29, s17, $0xb8;
	[tilespmem:$0x1F180] =	vst v63  }
0x2c: {  	_ =	swait.ge [sflag:s24], $0x5000  }
0x2d: {  	[sflag:s24] =	ssyncset.done $0x0  }
0x2e: {  	s28 =	sadd.s32 $0xA00, s28;
	[sflag:s24] =	ssyncadd.s32 $0xFFFFB000  }
0x2f: {  	[hbm4b:s28+s3] =	stream.linear.scatter [tilespmem:s20], [sflag:$0x4], $0x5000, $0x38;
	[tilespmem:$0x1F180] =	vst v63  }
0x30: {  	_ =	swait.ge [sflag:s25], $0x5000  }
0x31: {  	s30 =	simm.s32 $0x13BA0;
	[sflag:s25] =	ssyncset.done $0x0  }
0x32: {  	s29 =	simm.s32 $0x1400;
	s28 =	simm.s32 $0x13A60;
	[sflag:s25] =	ssyncadd.s32 $0xFFFFB000  }
.LBB2_2:
0x33: {  	[tilespmem:s20], [sflag:$0x2] =	stream.indirect.gather [spmem:s2], $0x80, s28, s17, $0xb8;
	[tilespmem:$0x1F180] =	vst v63  }
0x34: {  	s31 =	smov.u32 s29;
	s28 =	smov.u32 s30  }
0x35: {  	p1 =	sne.s32 s29, $0x16800;
	s29 =	sadd.s32 $0x1400, s29;
	_ =	swait.ge [sflag:s22], $0x5000  }
0x36: {  	[sflag:s22] =	ssyncset.done $0x0  }
0x37: {  	s31 =	sadd.s32 s31, s12;
	[sflag:s22] =	ssyncadd.s32 $0xFFFFB000  }
0x38: {  	[hbm4b:s31+s3] =	stream.linear.scatter [tilespmem:s18], [sflag:$0x3], $0x5000, $0x38;
	[tilespmem:$0x1F180] =	vst v63  }
0x39: {  	_ =	swait.ge [sflag:s23], $0x5000  }
0x3a: {  	[sflag:s23] =	ssyncset.done $0x0  }
0x3b: {  	s1 =	sadd.s32 $0xFFFFFF60, s30;
	[sflag:s23] =	ssyncadd.s32 $0xFFFFB000  }
0x3c: {  	[tilespmem:s18], [sflag:$0x1] =	stream.indirect.gather [spmem:s2], $0x80, s1, s17, $0xb8;
	[tilespmem:$0x1F180] =	vst v63  }
0x3d: {  	_ =	swait.ge [sflag:s24], $0x5000  }
0x3e: {  	[sflag:s24] =	ssyncset.done $0x0  }
.Ltmp0:
0x3f: {  	s1 =	sadd.s32 $0xA00, s31;
	[sflag:s24] =	ssyncadd.s32 $0xFFFFB000;
	(pc) =	sbr.rel @p1 .LBB2_2-.Ltmp0, $4  }
0x40: {  	[hbm4b:s1+s3] =	stream.linear.scatter [tilespmem:s20], [sflag:$0x4], $0x5000, $0x38;
	[tilespmem:$0x1F180] =	vst v63  }
0x41: {  	_ =	swait.ge [sflag:s25], $0x5000  }
0x42: {  	[sflag:s25] =	ssyncset.done $0x0  }
0x43: {  	s30 =	sadd.s32 $0x140, s30;
	[sflag:s25] =	ssyncadd.s32 $0xFFFFB000  }
0x44: {  	[tilespmem:s20], [sflag:$0x2] =	stream.indirect.gather [spmem:s2], $0x80, s28, s17, $0xb8;
	[tilespmem:$0x1F180] =	vst v63  }
0x45: {  	_ =	swait.ge [sflag:s22], $0x5000  }
0x46: {  	[sflag:s22] =	ssyncset.done $0x0  }
0x47: {  	[sflag:s22] =	ssyncadd.s32 $0xFFFFB000  }
0x48: {  	[hbm4b:s10+s3] =	stream.linear.scatter [tilespmem:s18], [sflag:$0x3], $0x5000, $0x38;
	[tilespmem:$0x1F180] =	vst v63  }
0x49: {  	_ =	swait.ge [sflag:s24], $0x5000  }
0x4a: {  	[sflag:s24] =	ssyncset.done $0x0  }
0x4b: {  	s26 =	sadd.s32 $0x1, s26;
	[sflag:s24] =	ssyncadd.s32 $0xFFFFB000  }
0x4c: {  	[hbm4b:s11+s3] =	stream.linear.scatter [tilespmem:s20], [sflag:$0x4], $0x5000, $0x38;
	[tilespmem:$0x1F180] =	vst v63  }
0x4d: {  	p1 =	sne.s32 s26, s9;
	_ =	swait.ge [sflag:s23], $0x5000  }
.Ltmp1:
0x4e: {  	[sflag:s23] =	ssyncset.done $0x0;
	(pc) =	sbr.rel @p1 .LBB2_1-.Ltmp1, $4  }
0x4f: {  	[sflag:s23] =	ssyncadd.s32 $0xFFFFB000  }
0x50: {  	_ =	swait.ge [sflag:s25], $0x5000  }
0x51: {  	[sflag:s25] =	ssyncset.done $0x0  }
0x52: {  	[sflag:s25] =	ssyncadd.s32 $0xFFFFB000  }
0x53: {  	_ =	sfence.sel $0x180000  }
0x54: {  	[bflag:$0x0] =	sbarrier.arrive $0xFFFF  }
0x55: {  	_ =	strace $0x90000047  }
0x56: {  	[bflag:$0x2] =	sbarrier.arrive $0xFFFF  }
0x57: {  	p0 =	sne.s32 s0, $0x0;
	s0 =	rddreg [dreg:$0x3]  }
0x58: {  	s0 =	sadd.s32 @!p0 $0x100000, s0  }
0x59: {  	[sflag:s0] =	ssyncadd.tile.s32 @!p0 $0x1;
	_ =	shalt  }
.Lfunc_end2:
_tile_overlayer_lowered:
.L_overlay_start_2:
0x5a: {  	(tag) =	ssettag $0x2  }
0x5b: {  	s0 =	rddreg [dreg:$0x0];
	s2 =	stileid.u32  }
0x5c: {  	s1 =	rddreg [dreg:$0x1];
	p0 =	sne.s32 s2, $0x0  }
0x5d: {  	s3 =	rddreg [dreg:$0x2];
	[bflag:$0x3] =	sbarrier.arrive $0xFFFF;
	s2 =	simm.s32 @!p0 $0x1C06  }
0x5e: {  	[timem:s3], [sflag:s2] =	dma.local @!p0 [hbm:s0], s1  }
0x5f: {  	s0 =	simm.s32 @!p0 $0x6  }
0x60: {  	_ =	swait.ge @!p0 [sflag:s0], s1  }
0x61: {  	s1 =	ssub.s32 @!p0 $0x0, s1;
	[sflag:s0] =	ssyncset.done @!p0 $0x0  }
0x62: {  	[sflag:s0] =	ssyncadd.s32 @!p0 s1  }
0x63: {  	[bflag:$0x3] =	sbarrier.arrive $0xFFFF  }
0x64: {  	_ =	shalt  }

</sc_bundles>
